<compile_context>
chip_gen: v7x
topology: tpu7x:2x2x1
jax: 0.10.2.dev20260603
libtpu: 0.0.44.dev20260713+nightly
codegen_flags: <defaults>
</compile_context>

<pallas_src>
import functools

import jax
import jax.numpy as jnp
import numpy as np
from jax import lax
from jax.experimental import pallas as pl
from jax.experimental.pallas import tpu as pltpu
from jax.experimental.pallas import tpu_sc as plsc

_L = 16
_NS = 16
_NC = 1


def _permute(x, perm, dn):
  return lax.gather(x, perm[:, None], dn, slice_sizes=(1,),
                    mode=lax.GatherScatterMode.PROMISE_IN_BOUNDS)


def _sc_body(B, S, H, enc_hbm, rowids_hbm, out_hbm, idx_v, rows_v, out_v,
             sem):
  sid = lax.axis_index("s")
  nq = _NS // B
  b = sid // nq
  r = sid % nq
  p = r // 2
  seg = r % 2

  pltpu.sync_copy(rowids_hbm, idx_v)
  pltpu.async_copy(enc_hbm.at[idx_v.at[b]], rows_v, sem).wait()

  lanes = lax.iota(jnp.int32, _L)
  lo = lanes < (_L // 2)
  pp = (2 * lanes + p) % _L
  sgn = (1 - 2 * p).astype(jnp.float32)
  dn = lax.GatherDimensionNumbers(
      offset_dims=(), collapsed_slice_dims=(0,), start_index_map=(0,))

  vper = H // (4 * _L)
  dbase = pl.multiple_of((H // 2) * seg, 2 * _L)

  def _step(v, carry):
    yi0 = rows_v[0, pl.ds(dbase + 2 * _L * v, _L)]
    yj0 = rows_v[1, pl.ds(dbase + 2 * _L * v, _L)]
    yi1 = rows_v[0, pl.ds(dbase + 2 * _L * v + _L, _L)]
    yj1 = rows_v[1, pl.ds(dbase + 2 * _L * v + _L, _L)]
    d0 = yj0 - yi0
    d1 = yj1 - yi1
    out_v[pl.ds(_L * v, _L)] = sgn * jnp.where(
        lo, _permute(d0, pp, dn), _permute(d1, pp, dn))
    return carry

  lax.fori_loop(0, vper, _step, 0)

  width = _L * vper
  col = pl.multiple_of(p * (H // 2) + width * seg, width)
  pltpu.sync_copy(out_v, out_hbm.at[b].at[pl.ds(col, width)])


@functools.partial(jax.jit, static_argnums=(2, 3, 4))
def _run(enc2d, rowids, B, S, H):
  mesh = plsc.VectorSubcoreMesh(core_axis_name="c", subcore_axis_name="s",
                                num_cores=_NC, num_subcores=_NS)
  body = functools.partial(_sc_body, B, S, H)
  fn = pl.kernel(
      body,
      out_type=jax.ShapeDtypeStruct((B, H), jnp.float32),
      mesh=mesh,
      scratch_types=[
          pltpu.VMEM((B, 2), jnp.int32),
          pltpu.VMEM((2, H), jnp.float32),
          pltpu.VMEM((H // 4,), jnp.float32),
          pltpu.SemaphoreType.DMA,
      ],
  )
  return fn(enc2d, rowids)


def kernel(encoded, pos):
  B, S, H = encoded.shape
  enc2d = encoded.reshape(B * S, H)
  base = np.arange(B, dtype=np.int32)[:, None] * S - np.array([[0, 1]], np.int32)
  rowids = pos.astype(jnp.int32) + jnp.asarray(base)
  return _run(enc2d, rowids, B, S, H)

# --- scband reference (transcript-rebuilt; emitter-appended) ---
"""Pipeline reference for scband-kitaev-encoder-35914516529853 (READ-ONLY COPY).

The authoritative reference and input builder live on the scoring server;
editing this copy changes nothing except your own understanding.
"""

import jax, jax.numpy as jnp
import numpy as np

B, S, H = 4, 8192, 1024

def setup_inputs(seed: int = 0) -> dict:
    key = jax.random.key(seed)
    k1, k2, k3 = jax.random.split(key, 3)
    encoded = jax.random.normal(k1, (B, S, H), dtype=jnp.float32)
    # pos[:, 0] = i in [0, S-1]; pos[:, 1] = j in [1, S] so that j-1 is a valid index
    i = jax.random.randint(k2, (B,), 0, S)
    j = jax.random.randint(k3, (B,), 1, S + 1)
    pos = jnp.stack([i, j], axis=1).astype(jnp.int32)
    return {"encoded": encoded, "pos": pos}

def reference(encoded, pos):
    # Dropout is identity at inference (eval mode).
    b = jnp.arange(encoded.shape[0])
    i = pos[:, 0]
    j = pos[:, 1] - 1
    yi = encoded[b, i]  # [B, H] gather of span-start states
    yj = encoded[b, j]  # [B, H] gather of span-end states
    even = yj[:, 0::2] - yi[:, 0::2]
    odd = yi[:, 1::2] - yj[:, 1::2]
    h = jnp.concatenate([even, odd], axis=1)  # [B, H]
    return h

if __name__ == "__main__":
    import jax
    _d = setup_inputs()
    print(jax.jit(kernel)(*tuple(_d.values())))

</pallas_src>

<mosaic_0001>
#map = affine_map<(d0, d1) -> (0, 0)>
module attributes {stable_mosaic.version = 14 : i64} {
  func.func @_sc_body(%arg0: i32, %arg1: i32, %arg2: memref<32768x1024xf32, #tpu.memory_space<hbm>>, %arg3: memref<4x2xi32, #tpu.memory_space<hbm>>, %arg4: memref<4x1024xf32, #tpu.memory_space<hbm>>, %arg5: memref<4x2xi32, #tpu.memory_space<vmem>>, %arg6: memref<2x1024xf32, #tpu.memory_space<vmem>>, %arg7: memref<256xf32, #tpu.memory_space<vmem>>, %arg8: memref<!tpu.dma_semaphore, #tpu.memory_space<semaphore_mem>>) attributes {dimension_semantics = [#tpu.dimension_semantics<core_parallel>, #tpu.dimension_semantics<subcore_parallel>], iteration_bounds = array<i64: 1, 16>, scalar_prefetch = 0 : i64, scratch_operands = 4 : i64, tpu.core_type = #tpu.core_type<sc_vector_subcore>, window_params = [{transform_indices = #map}, {transform_indices = #map}, {transform_indices = #map}]} {
    %jit3A = arith.constant 4 : i32
    %div3A = arith.divsi %arg1, %jit3A : i32
    %sign3A = arith.constant 0 : i32
    %sign3A_0 = arith.cmpi sgt, %arg1, %sign3A : i32
    %sign3A_1 = arith.extui %sign3A_0 : i1 to i32
    %sign3A_2 = arith.constant 0 : i32
    %sign3A_3 = arith.cmpi slt, %arg1, %sign3A_2 : i32
    %sign3A_4 = arith.extui %sign3A_3 : i1 to i32
    %sign3A_5 = arith.subi %sign3A_1, %sign3A_4 : i32
    %sign3A_6 = arith.constant 0 : i32
    %sign3A_7 = arith.cmpi sgt, %jit3A, %sign3A_6 : i32
    %sign3A_8 = arith.extui %sign3A_7 : i1 to i32
    %sign3A_9 = arith.constant 0 : i32
    %sign3A_10 = arith.cmpi slt, %jit3A, %sign3A_9 : i32
    %sign3A_11 = arith.extui %sign3A_10 : i1 to i32
    %sign3A_12 = arith.subi %sign3A_8, %sign3A_11 : i32
    %ne3A = arith.cmpi ne, %sign3A_5, %sign3A_12 : i32
    %rem3A = arith.remsi %arg1, %jit3A : i32
    %ne3A_13 = arith.constant 0 : i32
    %ne3A_14 = arith.cmpi ne, %rem3A, %ne3A_13 : i32
    %and3A = arith.andi %ne3A, %ne3A_14 : i1
    %sub3A = arith.constant 1 : i32
    %sub3A_15 = arith.subi %div3A, %sub3A : i32
    %select_n3A = arith.select %and3A, %sub3A_15, %div3A : i32
    %jit3A_16 = arith.constant 4 : i32
    %eq3A = arith.constant 0 : i32
    %eq3A_17 = arith.cmpi eq, %jit3A_16, %eq3A : i32
    %jit3A_18 = arith.constant 1 : i32
    %select_n3A_19 = arith.select %eq3A_17, %jit3A_18, %jit3A_16 : i32
    %rem3A_20 = arith.remsi %arg1, %select_n3A_19 : i32
    %ne3A_21 = arith.constant 0 : i32
    %ne3A_22 = arith.cmpi ne, %rem3A_20, %ne3A_21 : i32
    %lt3A = arith.constant 0 : i32
    %lt3A_23 = arith.cmpi slt, %rem3A_20, %lt3A : i32
    %lt3A_24 = arith.constant 0 : i32
    %lt3A_25 = arith.cmpi slt, %select_n3A_19, %lt3A_24 : i32
    %ne3A_26 = arith.xori %lt3A_23, %lt3A_25 : i1
    %and3A_27 = arith.andi %ne3A_26, %ne3A_22 : i1
    %add3A = arith.addi %rem3A_20, %select_n3A_19 : i32
    %select_n3A_28 = arith.select %and3A_27, %add3A, %rem3A_20 : i32
    %jit3A_29 = arith.constant 2 : i32
    %div3A_30 = arith.divsi %select_n3A_28, %jit3A_29 : i32
    %sign3A_31 = arith.constant 0 : i32
    %sign3A_32 = arith.cmpi sgt, %select_n3A_28, %sign3A_31 : i32
    %sign3A_33 = arith.extui %sign3A_32 : i1 to i32
    %sign3A_34 = arith.constant 0 : i32
    %sign3A_35 = arith.cmpi slt, %select_n3A_28, %sign3A_34 : i32
    %sign3A_36 = arith.extui %sign3A_35 : i1 to i32
    %sign3A_37 = arith.subi %sign3A_33, %sign3A_36 : i32
    %sign3A_38 = arith.constant 0 : i32
    %sign3A_39 = arith.cmpi sgt, %jit3A_29, %sign3A_38 : i32
    %sign3A_40 = arith.extui %sign3A_39 : i1 to i32
    %sign3A_41 = arith.constant 0 : i32
    %sign3A_42 = arith.cmpi slt, %jit3A_29, %sign3A_41 : i32
    %sign3A_43 = arith.extui %sign3A_42 : i1 to i32
    %sign3A_44 = arith.subi %sign3A_40, %sign3A_43 : i32
    %ne3A_45 = arith.cmpi ne, %sign3A_37, %sign3A_44 : i32
    %rem3A_46 = arith.remsi %select_n3A_28, %jit3A_29 : i32
    %ne3A_47 = arith.constant 0 : i32
    %ne3A_48 = arith.cmpi ne, %rem3A_46, %ne3A_47 : i32
    %and3A_49 = arith.andi %ne3A_45, %ne3A_48 : i1
    %sub3A_50 = arith.constant 1 : i32
    %sub3A_51 = arith.subi %div3A_30, %sub3A_50 : i32
    %select_n3A_52 = arith.select %and3A_49, %sub3A_51, %div3A_30 : i32
    %jit3A_53 = arith.constant 2 : i32
    %eq3A_54 = arith.constant 0 : i32
    %eq3A_55 = arith.cmpi eq, %jit3A_53, %eq3A_54 : i32
    %jit3A_56 = arith.constant 1 : i32
    %select_n3A_57 = arith.select %eq3A_55, %jit3A_56, %jit3A_53 : i32
    %rem3A_58 = arith.remsi %select_n3A_28, %select_n3A_57 : i32
    %ne3A_59 = arith.constant 0 : i32
    %ne3A_60 = arith.cmpi ne, %rem3A_58, %ne3A_59 : i32
    %lt3A_61 = arith.constant 0 : i32
    %lt3A_62 = arith.cmpi slt, %rem3A_58, %lt3A_61 : i32
    %lt3A_63 = arith.constant 0 : i32
    %lt3A_64 = arith.cmpi slt, %select_n3A_57, %lt3A_63 : i32
    %ne3A_65 = arith.xori %lt3A_62, %lt3A_64 : i1
    %and3A_66 = arith.andi %ne3A_65, %ne3A_60 : i1
    %add3A_67 = arith.addi %rem3A_58, %select_n3A_57 : i32
    %select_n3A_68 = arith.select %and3A_66, %add3A_67, %rem3A_58 : i32
    "tpu.region"() ({
      %run_scoped3A = tpu.sem_alloc : memref<!tpu.dma_semaphore, #tpu.memory_space<semaphore_mem>>
      tpu.enqueue_dma source(%arg3 : memref<4x2xi32, #tpu.memory_space<hbm>>) target(%arg5 : memref<4x2xi32, #tpu.memory_space<vmem>>) target_semaphore(%run_scoped3A : memref<!tpu.dma_semaphore, #tpu.memory_space<semaphore_mem>>)
      tpu.wait_dma2 semaphore(%run_scoped3A : memref<!tpu.dma_semaphore, #tpu.memory_space<semaphore_mem>>) src(%arg3 : memref<4x2xi32, #tpu.memory_space<hbm>>) dst(%arg5 : memref<4x2xi32, #tpu.memory_space<vmem>>)
      tpu.yield
    }) : () -> ()
    %dma_start3A = arith.constant 0 : i32
    %dma_start3A_69 = tpu.memref_slice %arg5[%select_n3A, %dma_start3A] : memref<4x2xi32, #tpu.memory_space<vmem>> -> memref<1x2xi32, #tpu.memory_space<vmem>>
    %dma_start3A_70 = tpu.memref_squeeze %dma_start3A_69 : memref<1x2xi32, #tpu.memory_space<vmem>> -> memref<2xi32, #tpu.memory_space<vmem>>
    %dma_start3A_71 = arith.constant 0 : i32
    %dma_start3A_72 = arith.constant 0 : i32
    %dma_start3A_73 = tpu.memref_slice %arg2[%dma_start3A_71, %dma_start3A_72] : memref<32768x1024xf32, #tpu.memory_space<hbm>> -> memref<32768x1024xf32, #tpu.memory_space<hbm>>
    tpu.enqueue_indirect_dma source(%dma_start3A_73 : memref<32768x1024xf32, #tpu.memory_space<hbm>>) target(%arg6 : memref<2x1024xf32, #tpu.memory_space<vmem>>) offsets(%dma_start3A_70 : memref<2xi32, #tpu.memory_space<vmem>>) semaphore(%arg8 : memref<!tpu.dma_semaphore, #tpu.memory_space<semaphore_mem>>)
    %dma_wait3A = arith.constant 0 : i32
    %dma_wait3A_74 = tpu.memref_slice %arg5[%select_n3A, %dma_wait3A] : memref<4x2xi32, #tpu.memory_space<vmem>> -> memref<1x2xi32, #tpu.memory_space<vmem>>
    %dma_wait3A_75 = tpu.memref_squeeze %dma_wait3A_74 : memref<1x2xi32, #tpu.memory_space<vmem>> -> memref<2xi32, #tpu.memory_space<vmem>>
    %dma_wait3A_76 = arith.constant 0 : i32
    %dma_wait3A_77 = arith.constant 0 : i32
    %dma_wait3A_78 = tpu.memref_slice %arg2[%dma_wait3A_76, %dma_wait3A_77] : memref<32768x1024xf32, #tpu.memory_space<hbm>> -> memref<32768x1024xf32, #tpu.memory_space<hbm>>
    tpu.wait_indirect_dma semaphore(%arg8 : memref<!tpu.dma_semaphore, #tpu.memory_space<semaphore_mem>>) src(%dma_wait3A_78 : memref<32768x1024xf32, #tpu.memory_space<hbm>>) dst(%arg6 : memref<2x1024xf32, #tpu.memory_space<vmem>>)
    %iota3A = tpu.iota {dimensions = array<i32: 0>} : vector<16xi32>
    %lt3A_79 = arith.constant 8 : i32
    %lt3A_80 = vector.broadcast %lt3A_79 : i32 to vector<16xi32>
    %lt3A_81 = arith.cmpi slt, %iota3A, %lt3A_80 : vector<16xi32>
    %mul3A = arith.constant 2 : i32
    %mul3A_82 = vector.broadcast %mul3A : i32 to vector<16xi32>
    %mul3A_83 = arith.muli %mul3A_82, %iota3A : vector<16xi32>
    %add3A_84 = vector.broadcast %select_n3A_52 : i32 to vector<16xi32>
    %add3A_85 = arith.addi %mul3A_83, %add3A_84 : vector<16xi32>
    %jit3A_86 = arith.constant 16 : i32
    %eq3A_87 = arith.constant 0 : i32
    %eq3A_88 = arith.cmpi eq, %jit3A_86, %eq3A_87 : i32
    %jit3A_89 = arith.constant 1 : i32
    %select_n3A_90 = arith.select %eq3A_88, %jit3A_89, %jit3A_86 : i32
    %rem3A_91 = vector.broadcast %select_n3A_90 : i32 to vector<16xi32>
    %rem3A_92 = arith.remsi %add3A_85, %rem3A_91 : vector<16xi32>
    %ne3A_93 = arith.constant 0 : i32
    %ne3A_94 = vector.broadcast %ne3A_93 : i32 to vector<16xi32>
    %ne3A_95 = arith.cmpi ne, %rem3A_92, %ne3A_94 : vector<16xi32>
    %lt3A_96 = arith.constant 0 : i32
    %lt3A_97 = vector.broadcast %lt3A_96 : i32 to vector<16xi32>
    %lt3A_98 = arith.cmpi slt, %rem3A_92, %lt3A_97 : vector<16xi32>
    %lt3A_99 = arith.constant 0 : i32
    %lt3A_100 = arith.cmpi slt, %select_n3A_90, %lt3A_99 : i32
    %ne3A_101 = vector.broadcast %lt3A_100 : i1 to vector<16xi1>
    %ne3A_102 = vector.broadcast %ne3A_101 : vector<16xi1> to vector<16xi1>
    %ne3A_103 = arith.xori %lt3A_98, %ne3A_102 : vector<16xi1>
    %and3A_104 = arith.andi %ne3A_103, %ne3A_95 : vector<16xi1>
    %add3A_105 = vector.broadcast %select_n3A_90 : i32 to vector<16xi32>
    %add3A_106 = arith.addi %rem3A_92, %add3A_105 : vector<16xi32>
    %select_n3A_107 = arith.select %and3A_104, %add3A_106, %rem3A_92 : vector<16xi1>, vector<16xi32>
    %mul3A_108 = arith.constant 2 : i32
    %mul3A_109 = arith.muli %mul3A_108, %select_n3A_52 : i32
    %sub3A_110 = arith.constant 1 : i32
    %sub3A_111 = arith.subi %sub3A_110, %mul3A_109 : i32
    %convert_element_type3A = arith.sitofp %sub3A_111 : i32 to f32
    %mul3A_112 = arith.constant 512 : i32
    %mul3A_113 = arith.muli %mul3A_112, %select_n3A_68 : i32
    %multiple_of3A = tpu.assume_multiple %mul3A_113, 32 : i32
    %scan3A = arith.constant 0 : i32
    %scan3A_114 = arith.constant 0 : i32
    %scan3A_115 = arith.constant 16 : i32
    %scan3A_116 = arith.addi %scan3A_114, %scan3A_115 : i32
    %scan3A_117 = arith.constant 1 : i32
    scf.for %scan3A_125 = %scan3A_114 to %scan3A_116 step %scan3A_117  : i32 {
      %mul3A_126 = arith.constant 32 : i32
      %mul3A_127 = arith.muli %mul3A_126, %scan3A_125 : i32
      %add3A_128 = arith.addi %multiple_of3A, %mul3A_127 : i32
      %get3A = arith.constant 0 : i32
      %get3A_129 = arith.index_cast %get3A : i32 to index
      %get3A_130 = arith.index_cast %add3A_128 : i32 to index
      %get3A_131 = tpu.vector_load %arg6[%get3A_129, %get3A_130] {strides = array<i32>} : memref<2x1024xf32, #tpu.memory_space<vmem>>, vector<1x16xf32>,
      %get3A_132 = vector.shape_cast %get3A_131 : vector<1x16xf32> to vector<16xf32>
      %mul3A_133 = arith.constant 32 : i32
      %mul3A_134 = arith.muli %mul3A_133, %scan3A_125 : i32
      %add3A_135 = arith.addi %multiple_of3A, %mul3A_134 : i32
      %get3A_136 = arith.constant 1 : i32
      %get3A_137 = arith.index_cast %get3A_136 : i32 to index
      %get3A_138 = arith.index_cast %add3A_135 : i32 to index
      %get3A_139 = tpu.vector_load %arg6[%get3A_137, %get3A_138] {strides = array<i32>} : memref<2x1024xf32, #tpu.memory_space<vmem>>, vector<1x16xf32>,
      %get3A_140 = vector.shape_cast %get3A_139 : vector<1x16xf32> to vector<16xf32>
      %mul3A_141 = arith.constant 32 : i32
      %mul3A_142 = arith.muli %mul3A_141, %scan3A_125 : i32
      %add3A_143 = arith.addi %multiple_of3A, %mul3A_142 : i32
      %add3A_144 = arith.constant 16 : i32
      %add3A_145 = arith.addi %add3A_143, %add3A_144 : i32
      %get3A_146 = arith.constant 0 : i32
      %get3A_147 = arith.index_cast %get3A_146 : i32 to index
      %get3A_148 = arith.index_cast %add3A_145 : i32 to index
      %get3A_149 = tpu.vector_load %arg6[%get3A_147, %get3A_148] {strides = array<i32>} : memref<2x1024xf32, #tpu.memory_space<vmem>>, vector<1x16xf32>,
      %get3A_150 = vector.shape_cast %get3A_149 : vector<1x16xf32> to vector<16xf32>
      %mul3A_151 = arith.constant 32 : i32
      %mul3A_152 = arith.muli %mul3A_151, %scan3A_125 : i32
      %add3A_153 = arith.addi %multiple_of3A, %mul3A_152 : i32
      %add3A_154 = arith.constant 16 : i32
      %add3A_155 = arith.addi %add3A_153, %add3A_154 : i32
      %get3A_156 = arith.constant 1 : i32
      %get3A_157 = arith.index_cast %get3A_156 : i32 to index
      %get3A_158 = arith.index_cast %add3A_155 : i32 to index
      %get3A_159 = tpu.vector_load %arg6[%get3A_157, %get3A_158] {strides = array<i32>} : memref<2x1024xf32, #tpu.memory_space<vmem>>, vector<1x16xf32>,
      %get3A_160 = vector.shape_cast %get3A_159 : vector<1x16xf32> to vector<16xf32>
      %sub3A_161 = arith.subf %get3A_140, %get3A_132 : vector<16xf32>
      %sub3A_162 = arith.subf %get3A_160, %get3A_150 : vector<16xf32>
      %broadcast_in_dim3A = vector.shape_cast %select_n3A_107 : vector<16xi32> to vector<16x1xi32>
      %gather3A = vector.shape_cast %broadcast_in_dim3A : vector<16x1xi32> to vector<16xi32>
      %gather3A_163 = tpu.dynamic_gather %sub3A_161[%gather3A] in [0] : vector<16xf32>, vector<16xi32> -> vector<16xf32>
      %broadcast_in_dim3A_164 = vector.shape_cast %select_n3A_107 : vector<16xi32> to vector<16x1xi32>
      %gather3A_165 = vector.shape_cast %broadcast_in_dim3A_164 : vector<16x1xi32> to vector<16xi32>
      %gather3A_166 = tpu.dynamic_gather %sub3A_162[%gather3A_165] in [0] : vector<16xf32>, vector<16xi32> -> vector<16xf32>
      %select_n3A_167 = arith.select %lt3A_81, %gather3A_163, %gather3A_166 : vector<16xi1>, vector<16xf32>
      %mul3A_168 = vector.broadcast %convert_element_type3A : f32 to vector<16xf32>
      %mul3A_169 = arith.mulf %mul3A_168, %select_n3A_167 : vector<16xf32>
      %mul3A_170 = arith.constant 16 : i32
      %mul3A_171 = arith.muli %mul3A_170, %scan3A_125 : i32
      %swap3A = arith.index_cast %mul3A_171 : i32 to index
      %swap3A_172 = tpu.vector_load %arg7[%swap3A] {strides = array<i32>} : memref<256xf32, #tpu.memory_space<vmem>>, vector<16xf32>,
      %swap3A_173 = vector.shape_cast %swap3A_172 : vector<16xf32> to vector<16xf32>
      %swap3A_174 = vector.shape_cast %mul3A_169 : vector<16xf32> to vector<16xf32>
      tpu.vector_store %arg7[%swap3A], %swap3A_174 {strides = array<i32>} : memref<256xf32, #tpu.memory_space<vmem>>, vector<16xf32>,
    }
    %scan3A_118 = arith.constant 16 : i32
    %mul3A_119 = arith.constant 512 : i32
    %mul3A_120 = arith.muli %select_n3A_52, %mul3A_119 : i32
    %mul3A_121 = arith.constant 256 : i32
    %mul3A_122 = arith.muli %mul3A_121, %select_n3A_68 : i32
    %add3A_123 = arith.addi %mul3A_120, %mul3A_122 : i32
    %multiple_of3A_124 = tpu.assume_multiple %add3A_123, 256 : i32
    "tpu.region"() ({
      %run_scoped3A = tpu.sem_alloc : memref<!tpu.dma_semaphore, #tpu.memory_space<semaphore_mem>>
      %dma_start3A_125 = arith.constant 0 : i32
      %dma_start3A_126 = tpu.memref_slice %arg4[%select_n3A, %dma_start3A_125] : memref<4x1024xf32, #tpu.memory_space<hbm>> -> memref<1x1024xf32, #tpu.memory_space<hbm>>
      %dma_start3A_127 = tpu.memref_squeeze %dma_start3A_126 : memref<1x1024xf32, #tpu.memory_space<hbm>> -> memref<1024xf32, #tpu.memory_space<hbm>>
      %dma_start3A_128 = tpu.memref_slice %dma_start3A_127[%multiple_of3A_124] : memref<1024xf32, #tpu.memory_space<hbm>> -> memref<256xf32, #tpu.memory_space<hbm>>
      %dma_start3A_129 = arith.constant 0 : i32
      %dma_start3A_130 = tpu.memref_slice %arg4[%select_n3A, %dma_start3A_129] : memref<4x1024xf32, #tpu.memory_space<hbm>> -> memref<1x1024xf32, #tpu.memory_space<hbm>>
      %dma_start3A_131 = tpu.memref_squeeze %dma_start3A_130 : memref<1x1024xf32, #tpu.memory_space<hbm>> -> memref<1024xf32, #tpu.memory_space<hbm>>
      %dma_start3A_132 = tpu.memref_slice %dma_start3A_131[%multiple_of3A_124] : memref<1024xf32, #tpu.memory_space<hbm>> -> memref<256xf32, #tpu.memory_space<hbm>>
      tpu.enqueue_dma source(%arg7 : memref<256xf32, #tpu.memory_space<vmem>>) target(%dma_start3A_132 : memref<256xf32, #tpu.memory_space<hbm>>) target_semaphore(%run_scoped3A : memref<!tpu.dma_semaphore, #tpu.memory_space<semaphore_mem>>)
      %dma_wait3A_133 = arith.constant 0 : i32
      %dma_wait3A_134 = tpu.memref_slice %arg4[%select_n3A, %dma_wait3A_133] : memref<4x1024xf32, #tpu.memory_space<hbm>> -> memref<1x1024xf32, #tpu.memory_space<hbm>>
      %dma_wait3A_135 = tpu.memref_squeeze %dma_wait3A_134 : memref<1x1024xf32, #tpu.memory_space<hbm>> -> memref<1024xf32, #tpu.memory_space<hbm>>
      %dma_wait3A_136 = tpu.memref_slice %dma_wait3A_135[%multiple_of3A_124] : memref<1024xf32, #tpu.memory_space<hbm>> -> memref<256xf32, #tpu.memory_space<hbm>>
      %dma_wait3A_137 = arith.constant 0 : i32
      %dma_wait3A_138 = tpu.memref_slice %arg4[%select_n3A, %dma_wait3A_137] : memref<4x1024xf32, #tpu.memory_space<hbm>> -> memref<1x1024xf32, #tpu.memory_space<hbm>>
      %dma_wait3A_139 = tpu.memref_squeeze %dma_wait3A_138 : memref<1x1024xf32, #tpu.memory_space<hbm>> -> memref<1024xf32, #tpu.memory_space<hbm>>
      %dma_wait3A_140 = tpu.memref_slice %dma_wait3A_139[%multiple_of3A_124] : memref<1024xf32, #tpu.memory_space<hbm>> -> memref<256xf32, #tpu.memory_space<hbm>>
      tpu.wait_dma2 semaphore(%run_scoped3A : memref<!tpu.dma_semaphore, #tpu.memory_space<semaphore_mem>>) src(%arg7 : memref<256xf32, #tpu.memory_space<vmem>>) dst(%dma_wait3A_140 : memref<256xf32, #tpu.memory_space<hbm>>)
      tpu.yield
    }) : () -> ()
    return
  }
}

</mosaic_0001>

<sc_bundles>
// kernel: _run.3.cloned.1.call-start
scs
__scs_entry_jumppad:
0x0: {  	(pc) =	sbr.rel $0x88, $3  }
0x1: {  	(tag) =	ssettag $0x0;
	lr =	simm.s32 $0x1  }
0x2: {  	[smem:$0x3F9F] =	sst lr;
	_ =	strace $0xD0000000  }
0x3: {  	_ = 	snop  }
0x4: {  	_ = 	snop  }
0x5: {  	_ = 	snop  }
0x6: {  	_ = 	snop  }
0x7: {  	_ = 	snop  }
__scs_overlays_trampoline_lowered:
0x8: {  	[smem:$0x3FAE] =	sst s0  }
0x9: {  	[smem:$0x3FAF] =	sst s1  }
0xa: {  	[smem:$0x3FB0] =	sst s2  }
0xb: {  	[smem:$0x3FB1] =	sst s3  }
0xc: {  	[smem:$0x3FB2] =	sst s4  }
0xd: {  	[smem:$0x3FB3] =	sst s5  }
0xe: {  	[smem:$0x3FB4] =	sst s6  }
0xf: {  	[smem:$0x3FB5] =	sst s7  }
0x10: {  	[smem:$0x3FB6] =	sst s8  }
0x11: {  	[smem:$0x3FB7] =	sst s9;
	s0 =	simm.s32 @!p0 $0x0  }
0x12: {  	s1 =	sld [smem:$0x3F9D];
	s0 =	simm.s32 @p0 $0x1  }
0x13: {  	[smem:$0x3FB8] =	sst s0;
	s0 =	simm.s32 @!p1 $0x0  }
0x14: {  	s2 =	sld [smem:$0x3F9C];
	s0 =	simm.s32 @p1 $0x1  }
0x15: {  	[smem:$0x3FB9] =	sst s0;
	s0 =	simm.s32 @!p2 $0x0  }
0x16: {  	s3 =	sld [smem:$0x3FDB];
	s0 =	simm.s32 @p2 $0x1  }
0x17: {  	s4 =	simm.s32 $0x1BF5;
	[smem:$0x3FBB] =	sst s0  }
0x18: {  	s0 =	sld [smem:$0x3F9E];
	_ =	swait.ge [sflag:s4], $0x0  }
0x19: {  	s7 =	sld [smem:$0x3F9F]  }
0x1a: {  	s8 =	sadd.s32 $0xFFFFE003, lr  }
0x1b: {  	s9 =	sadd.s32 $0xFFFFFEF7, lr;
	s5 =	simm.s32 $0xFFFFFFFF;
	p2 =	slt.u32 s8, $0xFFFFF086  }
0x1c: {  	p1 =	slt.u32 s9, $0xF7A;
	s5 =	simm.s32 @!p2 $0x0  }
0x1d: {  	s5 =	simm.s32 @p1 $0x1;
	p0 =	seq.s32 s7, s2  }
0x1e: {  	s7 =	smul.u32 @!p0 $0xF7A, s2;
	p2 =	seq.s32 @!p0 s5, $0x0  }
0x1f: {  	s9 =	smul.u32 $0xF7A, s1;
	s8 =	simm.s32 @!p0 $0x1BF5;
	p2 =	por !p2, p0  }
0x20: {  	[sflag:s8] =	ssyncset.s32 @!p0 $0xFFFFF086;
	s6 =	sadd.s32 @!p0 s3, s7;
	s7 =	simm.s32 @!p0 $0x108  }
0x21: {  	s3 =	sadd.s32 s3, s9;
	s6 =	sadd.s32 @!p0 $0x88, s6;
	s7 =	simm.s32 @p2 $0x1082  }
0x22: {  	[simem:s7], [sflag:s8] =	dma.local @!p0 [hbm:s6], $0xF7A  }
0x23: {  	s9 =	sor.u32 $0xD0000000, s2;
	s6 =	simm.s32 $0x108;
	_ =	swait.ge @!p0 [sflag:s8], $0x0  }
0x24: {  	s3 =	sadd.s32 $0x88, s3;
	s6 =	simm.s32 @!p1 $0x1082;
	[sflag:s4] =	ssyncset.s32 $0xFFFFF086  }
0x25: {  	[simem:s6], [sflag:s4] =	dma.local [hbm:s3], $0xF7A  }
0x26: {  	[smem:$0x3F9F] =	sst s1;
	(tag) =	ssettag s2;
	_ =	strace s9  }
0x27: {  	s1 =	sld [smem:$0x3FAF]  }
0x28: {  	s2 =	sld [smem:$0x3FB0]  }
0x29: {  	s4 =	sld [smem:$0x3FB2]  }
0x2a: {  	p0 =	seq.s32 s5, $0x0;
	s5 =	sld [smem:$0x3FB3]  }
0x2b: {  	s6 =	sld [smem:$0x3FB4]  }
0x2c: {  	s7 =	sld [smem:$0x3FB5]  }
0x2d: {  	s3 =	simm.s32 $0x108;
	s8 =	sld [smem:$0x3FB6]  }
0x2e: {  	s3 =	simm.s32 @!p0 $0x1082;
	s9 =	sld [smem:$0x3FB7]  }
0x2f: {  	lr =	sadd.s32 s0, s3;
	s0 =	sld [smem:$0x3FAE]  }
0x30: {  	s3 =	sld [smem:$0x3FB1]  }
0x31: {  	[smem:$0x3FBA] =	sst s10  }
0x32: {  	s10 =	sld [smem:$0x3FB8];
	_ =	sdelay $0x3  }
0x33: {  	p0 =	seq.s32 s10, $0x1;
	s10 =	sld [smem:$0x3FBA];
	_ =	sdelay $0x3  }
0x34: {  	[smem:$0x3FBA] =	sst s10  }
0x35: {  	s10 =	sld [smem:$0x3FB9];
	_ =	sdelay $0x3  }
0x36: {  	p1 =	seq.s32 s10, $0x1;
	s10 =	sld [smem:$0x3FBA];
	_ =	sdelay $0x3  }
0x37: {  	[smem:$0x3FBA] =	sst s10  }
0x38: {  	s10 =	sld [smem:$0x3FBB]  }
0x39: {  	_ = 	snop;
	(pc) =	sbr.ind lr, $3  }
0x3a: {  	_ = 	snop  }
0x3b: {  	_ = 	snop  }
0x3c: {  	p2 =	seq.s32 s10, $0x1;
	s10 =	sld [smem:$0x3FBA]  }
0x3d: {  	_ =	shalt  }
0x3e: {  	_ =	shalt  }
0x3f: {  	_ =	shalt  }
0x40: {  	_ =	shalt  }
0x41: {  	_ =	shalt  }
0x42: {  	_ =	shalt  }
0x43: {  	_ =	shalt  }
0x44: {  	_ =	shalt  }
0x45: {  	_ =	shalt  }
0x46: {  	_ =	shalt  }
0x47: {  	_ =	shalt  }
0x48: {  	_ =	shalt  }
0x49: {  	_ =	shalt  }
0x4a: {  	_ =	shalt  }
0x4b: {  	_ =	shalt  }
0x4c: {  	_ =	shalt  }
0x4d: {  	_ =	shalt  }
0x4e: {  	_ =	shalt  }
0x4f: {  	_ =	shalt  }
0x50: {  	_ =	shalt  }
0x51: {  	_ =	shalt  }
0x52: {  	_ =	shalt  }
0x53: {  	_ =	shalt  }
0x54: {  	_ =	shalt  }
0x55: {  	_ =	shalt  }
0x56: {  	_ =	shalt  }
0x57: {  	_ =	shalt  }
0x58: {  	_ =	shalt  }
0x59: {  	_ =	shalt  }
0x5a: {  	_ =	shalt  }
0x5b: {  	_ =	shalt  }
0x5c: {  	_ =	shalt  }
0x5d: {  	_ =	shalt  }
0x5e: {  	_ =	shalt  }
0x5f: {  	_ =	shalt  }
0x60: {  	_ =	shalt  }
0x61: {  	_ =	shalt  }
0x62: {  	_ =	shalt  }
0x63: {  	_ =	shalt  }
0x64: {  	_ =	shalt  }
0x65: {  	_ =	shalt  }
0x66: {  	_ =	shalt  }
0x67: {  	_ =	shalt  }
0x68: {  	_ =	shalt  }
0x69: {  	_ =	shalt  }
0x6a: {  	_ =	shalt  }
0x6b: {  	_ =	shalt  }
0x6c: {  	_ =	shalt  }
0x6d: {  	_ =	shalt  }
0x6e: {  	_ =	shalt  }
0x6f: {  	_ =	shalt  }
0x70: {  	_ =	shalt  }
0x71: {  	_ =	shalt  }
0x72: {  	_ =	shalt  }
0x73: {  	_ =	shalt  }
0x74: {  	_ =	shalt  }
0x75: {  	_ =	shalt  }
0x76: {  	_ =	shalt  }
0x77: {  	_ =	shalt  }
0x78: {  	_ =	shalt  }
0x79: {  	_ =	shalt  }
0x7a: {  	_ =	shalt  }
0x7b: {  	_ =	shalt  }
0x7c: {  	_ =	shalt  }
0x7d: {  	_ =	shalt  }
0x7e: {  	_ =	shalt  }
0x7f: {  	_ =	shalt  }
0x80: {  	_ =	shalt  }
0x81: {  	_ =	shalt  }
0x82: {  	_ =	shalt  }
0x83: {  	_ =	shalt  }
0x84: {  	_ =	shalt  }
0x85: {  	_ =	shalt  }
0x86: {  	_ =	shalt  }
0x87: {  	_ =	shalt  }
.Lfunc_end0:
.L_simem_size_0:
called_computation_lowered:
.L_overlay_start_0:
0x88: {  	s0 =	sld [smem:$0x3FD9]  }
0x89: {  	s1 =	sld [smem:$0x3FFE];
	_ =	sdelay $0x3  }
0x8a: {  	s0 =	sadd.s32 s1, s0  }
0x8b: {  	[smem:$0x3FC6] =	sst s0  }
0x8c: {  	_ = 	snop  }
0x8d: {  	s0 =	sld [smem:$0x3FC9]  }
0x8e: {  	s16 =	sld [smem:$0x3FD0];
	(tm) =	ssettm $0x1  }
0x8f: {  	s2 =	sld [smem:$0x3FFB];
	_ =	sdelay $0x3  }
0x90: {  	_ =	strace s2  }
0x91: {  	s2 =	sld [smem:$0x3FFC];
	_ =	sdelay $0x3  }
0x92: {  	_ =	strace s2  }
0x93: {  	s2 =	sld [smem:$0x3FFD];
	_ =	sdelay $0x3  }
0x94: {  	_ =	strace s2  }
0x95: {  	_ =	strace $0x8FFFFFFF  }
0x96: {  	s17 =	sld [smem:$0x3FDB];
	_ =	sdelay $0x1  }
0x97: {  	s3 =	simm.s32 $_scs_section_size  }
0x98: {  	s4 =	simm.s32 $_size__tile_overlayer_lowered;
	s5 =	simm.s32 $_tile_overlayer_lowered  }
0x99: {  	s20 =	simm.s32 $0x1BFF;
	s19 =	sshll.u32 s5, $0x1;
	s2 =	sadd.s32 s3, s17  }
0x9a: {  	s6 =	simm.s32 $0x0;
	s18 =	sshll.u32 s4, $0x1;
	s4 =	sadd.s32 s19, s2  }
0x9b: {  	[timem:s6], [sflag:s20] =	dma.local [hbm:s4], s18  }
0x9c: {  	_ =	swait.ge [sflag:s20], s18  }
0x9d: {  	s3 =	ssub.s32 $0x0, s18;
	[sflag:s20] =	ssyncset.done $0x0  }
0x9e: {  	[sflag:s20] =	ssyncadd.s32 s3;
	_ =	sdelay $0x1  }
0x9f: {  	s21 =	simm.s32 $0x1B8B  }
0xa0: {  	_ =	swait.ge [sflag:s21], $0x1  }
0xa1: {  	[sflag:s21] =	ssyncset.done $0x0  }
0xa2: {  	s23 =	simm.s32 $0x1B8E;
	s22 =	sld [smem:$0x3FFE];
	[sflag:s21] =	ssyncadd.s32 $0xFFFFFFFF  }
0xa3: {  	s24 =	simm.s32 $execute0_lowered;
	[smem:$0x3FD2] =	sst s23  }
0xa4: {  	s4 =	sshll.u32 s24, $0x1;
	_ =	strace $0x80000046;
	[dreg:$0x1] =	wrdreg $0xFFFFFFFF  }
0xa5: {  	s25 =	simm.s32 $_size_execute0_lowered;
	s2 =	sadd.s32 s2, s4;
	[dreg:$0x0] =	wrdreg $0x0  }
0xa6: {  	s4 =	sshll.u32 s25, $0x1;
	[dreg:$0x2] =	wrdreg s2  }
0xa7: {  	[dreg:$0x3] =	wrdreg s4  }
0xa8: {  	[dreg:$0x4] =	wrdreg $0xC0  }
0xa9: {  	_ =	task [dreg:s6], $0x5FFFF  }
0xaa: {  	[dreg:$0x1] =	wrdreg $0xFFFFFFFF  }
0xab: {  	[dreg:$0x0] =	wrdreg $0x60  }
0xac: {  	[dreg:$0x2] =	wrdreg s0  }
0xad: {  	[dreg:$0x3] =	wrdreg s22  }
0xae: {  	[dreg:$0x4] =	wrdreg s16  }
0xaf: {  	[dreg:$0x5] =	wrdreg $0x9  }
0xb0: {  	_ =	task.clear_ibuf [dreg:s6], $0x6FFFF;
	_ =	strace $0x90000046  }
0xb1: {  	s26 =	simm.s32 $0x9;
	_ =	strace $0x80000048  }
0xb2: {  	_ =	swait.ge [sflag:s26], $0x1  }
0xb3: {  	[sflag:s26] =	ssyncadd.s32 $0xFFFFFFFF  }
0xb4: {  	_ =	strace $0x90000048  }
0xb5: {  	_ =	sfence  }
0xb6: {  	s28 =	sld [smem:$0x0];
	_ =	sdelay $0x1  }
0xb7: {  	s29 =	srdreg.scid  }
0xb8: {  	s30 =	sshll.u32 s29, $0xD;
	s31 =	sshrl.u32 s29, $0x2  }
0xb9: {  	s1 =	sand.u32 $0x1, s29;
	s2 =	sand.u32 $0x4000, s30;
	s0 =	sadd.s32 s31, s28  }
0xba: {  	s1 =	sor.u32 s2, s1;
	s0 =	sshll.u32 s0, $0x11  }
0xbb: {  	s0 =	sor.u32 s0, s1  }
0xbc: {  	s0 =	sadd.s32 $0x8F2B, s0  }
0xbd: {  	[sflag:s0] =	ssyncadd.remote.s32 $0x1  }
0xbe: {  	_ =	sfence.sel $0xFFFF  }
0xbf: {  	[dreg:$0x0] =	wrdreg $0xFFFFFFFF;
	(pc) =	sbr.abs _section_cstart, $3  }
0xc0: {  	[dreg:$0x1] =	wrdreg $0xFFFFFFFF  }
0xc1: {  	_ =	task.clear_ibuf [dreg:s6], $0x2FFFF;
	_ =	strace $0x9FFFFFFF  }
0xc2: {  	(tm) =	ssettm $0x7FFFFFFF  }
0xc3: {  	_ =	shalt  }
tec
execute0_lowered:
.L_overlay_start_1:
0x0: {  	(tag) =	ssettag $0x1  }
0x1: {  	s4 =	rddreg [dreg:$0x0]  }
0x2: {  	s1 =	rddreg [dreg:$0x1]  }
0x3: {  	s2 =	rddreg [dreg:$0x2]  }
0x4: {  	s0 =	rddreg [dreg:$0x3];
	s5 =	simm.s32 $0x0  }
0x5: {  	[smem:$0x7FF] =	sst s5  }
0x6: {  	s6 =	simm.s32 $0x2;
	s1 =	sadd.s32 $0x400, s1;
	_ =	strace $0x80000047  }
0x7: {  	[tilespmem:s5], [sflag:$0x2] =	stream.linear.gather [hbm4b:s1+s5], $0x200, $0x38;
	[tilespmem:$0xB00] =	vst v63  }
0x8: {  	s1 =	stileid.u32;
	_ =	swait.ge [sflag:s6], $0x200  }
0x9: {  	s3 =	sshrl.u32 s1, $0x2;
	[sflag:s6] =	ssyncset.done $0x0  }
0xa: {  	s7 =	sshll.u32 s3, $0x7;
	[sflag:s6] =	ssyncadd.s32 $0xFFFFFE00  }
0xb: {  	v0 =	vld.msk [tilespmem:s7+$0x0], $0x3;
	_ =	sdelay $0x4  }
0xc: {  	v1 =	vshll.u32 v0, $0x3  }
0xd: {  	v2 =	vlaneseq.u32;
	v0 =	vand.u32 $0x7, v0;
	v1 =	vand.u32 $0xFFFFFFC0, v1  }
0xe: {  	v3 =	vshrl.u32 v2, $0x1;
	v0 =	vor.u32 v0, v1;
	v1 =	vand.u32 $0x1, v2  }
0xf: {  	v0 =	vperm.xlane v0, v1;
	v1 =	vmul.u32 $0x8, v3;
	_ =	sdelay $0x1  }
0x10: {  	v0 =	vadd.s32 v1, v0;
	_ =	sdelay $0x3  }
0x11: {  	vm0 =	vmmov $0xffff;
	s23 =	simm.s32 $0x200;
	s24 =	simm.s32 $0x1  }
0x12: {  	[tilespmem:s23], [sflag:$0x1] =	stream.indirect_vreg.gather [hbm4b:s4+s5], $0x80, v0, vm0, $0xb8;
	[tilespmem:$0xB00] =	vst v63  }
0x13: {  	s25 =	sshll.u32 s1, $0xA;
	_ =	swait.ge [sflag:s24], $0x800  }
0x14: {  	s26 =	sand.u32 $0x700, s25;
	s5 =	sand.u32 $0x60, s5;
	[sflag:s24] =	ssyncset.done $0x0  }
0x15: {  	s28 =	sor.u32 s5, s26;
	[sflag:s24] =	ssyncadd.s32 $0xFFFFF800  }
0x16: {  	v0 =	vld [tilespmem:s28+$0x280]  }
0x17: {  	v1 =	vld [tilespmem:s28+$0x200]  }
0x18: {  	v3 =	vld [tilespmem:s28+$0x210]  }
0x19: {  	v4 =	vld [tilespmem:s28+$0x290];
	_ =	sdelay $0x2  }
0x1a: {  	v2 =	vand.u32 $0x7, v2  }
0x1b: {  	s29 =	sshrl.u32 s1, $0x1;
	v2 =	vmul.u32 $0x2, v2  }
0x1c: {  	s30 =	sand.u32 $0x2, s1;
	s4 =	sand.u32 $0x1, s29;
	v1 =	vsub.f32 v0, v1;
	v3 =	vsub.f32 v4, v3  }
0x1d: {  	s5 =	ssub.s32 $0x1, s30;
	v0 =	vor.u32 s4, v2  }
0x1e: {  	s5 =	scvt.s32.f32 s5;
	v2 =	vperm.xlane v1, v0;
	v3 =	vperm.xlane v3, v0  }
0x1f: {  	vm0 =	vmmov $0xff  }
0x20: {  	v1 =	vmov s5;
	v2 =	vsel vm0, v2, v3  }
0x21: {  	s31 =	simm.s32 $0x20;
	s6 =	sadd.s32 $0x40, s25;
	v2 =	vmul.f32 v2, v1  }
0x22: {  	s7 =	sand.u32 $0x60, s31;
	s8 =	sand.u32 $0x700, s6;
	s5 =	simm.s32 $0xA00  }
0x23: {  	s8 =	sor.u32 s7, s8;
	[tilespmem:s5+$0x0] =	vst v2  }
0x24: {  	v2 =	vld [tilespmem:s8+$0x280]  }
0x25: {  	s7 =	simm.s32 $0x40;
	v3 =	vld [tilespmem:s8+$0x200]  }
.LBB2_1:
0x26: {  	p0 =	sne.s32 s7, $0x1E0;
	v4 =	vld [tilespmem:s8+$0x210]  }
0x27: {  	v5 =	vld [tilespmem:s8+$0x290];
	_ =	sdelay $0x4  }
0x28: {  	v2 =	vsub.f32 v2, v3;
	v3 =	vsub.f32 v5, v4;
	_ =	sdelay $0x1  }
0x29: {  	v2 =	vperm.xlane v2, v0;
	v3 =	vperm.xlane v3, v0;
	_ =	sdelay $0x1  }
0x2a: {  	v2 =	vsel vm0, v2, v3  }
.Ltmp0:
0x2b: {  	s6 =	sadd.s32 $0x40, s6;
	v2 =	vmul.f32 v2, v1;
	(pc) =	sbr.rel @p0 .LBB2_1-.Ltmp0, $4  }
0x2c: {  	s5 =	sadd.s32 $0x10, s5;
	s8 =	sand.u32 $0x60, s7;
	s9 =	sand.u32 $0x700, s6  }
0x2d: {  	s8 =	sor.u32 s8, s9;
	[tilespmem:s5+$0x0] =	vst v2  }
0x2e: {  	v2 =	vld [tilespmem:s8+$0x280]  }
0x2f: {  	s7 =	sadd.s32 $0x20, s7;
	v3 =	vld [tilespmem:s8+$0x200]  }
0x30: {  	v4 =	vld [tilespmem:s8+$0x210]  }
0x31: {  	v5 =	vld [tilespmem:s8+$0x290];
	_ =	sdelay $0x4  }
0x32: {  	v2 =	vsub.f32 v2, v3;
	v62 =	vsub.f32 v5, v4;
	_ =	sdelay $0x1  }
0x33: {  	v2 =	vperm.xlane v2, v0;
	v63 =	vperm.xlane v62, v0;
	_ =	sdelay $0x1  }
0x34: {  	s6 =	sshll.u32 s1, $0x7;
	s4 =	sshll.u32 s4, $0x8;
	s3 =	sshll.u32 s3, $0x4;
	v0 =	vsel vm0, v2, v63  }
0x35: {  	s26 =	sadd.s32 $0x10, s5;
	s28 =	simm.s32 $0x80;
	s6 =	sand.u32 $0x80, s6;
	v0 =	vmul.f32 v0, v1  }
0x36: {  	s29 =	simm.s32 $0x200;
	s2 =	sadd.s32 s2, s3;
	s4 =	sor.u32 s6, s4  }
0x37: {  	s30 =	simm.s32 $0xA00;
	s31 =	simm.s32 $0x2;
	s2 =	sadd.s32 s2, s4;
	[tilespmem:s26+$0x0] =	vst v0  }
0x38: {  	[hbm4b:s2+s28] =	stream.strided.scatter [tilespmem:s30], [sflag:$0x2], $0x100, s29, s28, $0x38;
	[tilespmem:$0xB00] =	vst v63  }
0x39: {  	_ =	swait.ge [sflag:s31], $0x100  }
0x3a: {  	[sflag:s31] =	ssyncset.done $0x0  }
0x3b: {  	[sflag:s31] =	ssyncadd.s32 $0xFFFFFF00  }
0x3c: {  	_ =	sfence.sel $0x180000  }
0x3d: {  	[bflag:$0x0] =	sbarrier.arrive $0xFFFF  }
0x3e: {  	p0 =	sne.s32 s1, $0x0;
	_ =	strace $0x90000047  }
0x3f: {  	s0 =	sadd.s32 @!p0 $0x100000, s0;
	[bflag:$0x2] =	sbarrier.arrive $0xFFFF  }
0x40: {  	[sflag:s0] =	ssyncadd.tile.s32 @!p0 $0x1;
	_ =	shalt  }
.Lfunc_end2:
_tile_overlayer_lowered:
.L_overlay_start_2:
0x41: {  	(tag) =	ssettag $0x2  }
0x42: {  	s0 =	rddreg [dreg:$0x0];
	s2 =	stileid.u32  }
0x43: {  	s1 =	rddreg [dreg:$0x1];
	p0 =	sne.s32 s2, $0x0  }
0x44: {  	s3 =	rddreg [dreg:$0x2];
	[bflag:$0x3] =	sbarrier.arrive $0xFFFF;
	s2 =	simm.s32 @!p0 $0x1C02  }
0x45: {  	[timem:s3], [sflag:s2] =	dma.local @!p0 [hbm:s0], s1  }
0x46: {  	s0 =	simm.s32 @!p0 $0x2  }
0x47: {  	_ =	swait.ge @!p0 [sflag:s0], s1  }
0x48: {  	s1 =	ssub.s32 @!p0 $0x0, s1;
	[sflag:s0] =	ssyncset.done @!p0 $0x0  }
0x49: {  	[sflag:s0] =	ssyncadd.s32 @!p0 s1  }
0x4a: {  	[bflag:$0x3] =	sbarrier.arrive $0xFFFF  }
0x4b: {  	_ =	shalt  }

</sc_bundles>
